<compile_context>
chip_gen: v7x
topology: tpu7x:2x2x1
jax: 0.10.2.dev20260603
libtpu: 0.0.44.dev20260713+nightly
codegen_flags: <defaults>
</compile_context>

<pallas_src>
import functools

import jax
import jax.numpy as jnp
from jax import lax
from jax.experimental import pallas as pl
from jax.experimental.pallas import tpu as pltpu
from jax.experimental.pallas import tpu_sc as plsc

N_ENT = 1024
D = 256
K = 512
Q = 4096
QBLK = 2048


def _top2_body(ent_ref, cb_ref, idx_ref):
    ent = ent_ref[...]
    cbt = cb_ref[...].T
    cnorm2 = jnp.sum(cbt * cbt, axis=0, keepdims=True)
    dots = jnp.dot(ent, cbt, preferred_element_type=jnp.float32,
                   precision=lax.Precision.HIGHEST)
    metric = cnorm2 - 2.0 * dots
    kiota = lax.broadcasted_iota(jnp.int32, (N_ENT, K), 1).astype(jnp.float32)
    m1 = jnp.min(metric, axis=1, keepdims=True)
    idx1f = jnp.min(jnp.where(metric == m1, kiota, jnp.float32(K)),
                    axis=1, keepdims=True)
    masked = jnp.where(kiota == idx1f, jnp.float32(jnp.inf), metric)
    m2 = jnp.min(masked, axis=1, keepdims=True)
    idx2f = jnp.min(jnp.where(masked == m2, kiota, jnp.float32(K)),
                    axis=1, keepdims=True)
    idx_ref[0:N_ENT, :] = idx1f.astype(jnp.int32)
    idx_ref[N_ENT:2 * N_ENT, :] = idx2f.astype(jnp.int32)


def _top2(entity_emb, codebook):
    return pl.pallas_call(
        _top2_body,
        out_shape=jax.ShapeDtypeStruct((2 * N_ENT, 1), jnp.int32),
    )(entity_emb, codebook)


def _gather_rows(codebook, idx_col):
    info = plsc.get_sparse_core_info()
    nc, ns = 1, info.num_subcores
    nw = nc * ns
    b_per_w = (2 * N_ENT) // nw
    mesh = plsc.VectorSubcoreMesh(core_axis_name="c", subcore_axis_name="s",
                                  num_cores=1)

    @functools.partial(
        pl.kernel,
        mesh=mesh,
        out_type=jax.ShapeDtypeStruct((2 * N_ENT, D), jnp.float32),
        scratch_types=[
            pltpu.VMEM((b_per_w,), jnp.int32),
            pltpu.VMEM((b_per_w, D), jnp.float32),
            pltpu.SemaphoreType.DMA,
        ],
    )
    def k(cb_hbm, idx_hbm, out_hbm, idx_v, rows_v, sem):
        wid = lax.axis_index("s") * nc + lax.axis_index("c")
        base = wid * b_per_w
        pltpu.sync_copy(idx_hbm.at[pl.ds(base, b_per_w)], idx_v)
        pltpu.async_copy(cb_hbm.at[idx_v], rows_v, sem).wait()
        pltpu.sync_copy(rows_v, out_hbm.at[pl.ds(base, b_per_w)])

    return k(codebook, idx_col.reshape(2 * N_ENT))


def _score_body(q_ref, ent_ref, rows_ref, idx_ref,
                score_ref, loss_ref, nearest_ref, quant_ref):
    step = pl.program_id(0)

    @pl.when(step == 0)
    def _():
        ent = ent_ref[...]
        c1 = rows_ref[0:N_ENT, :]
        c2 = rows_ref[N_ENT:2 * N_ENT, :]
        d1 = jnp.sum((ent - c1) ** 2, axis=1, keepdims=True)
        d2 = jnp.sum((ent - c2) ** 2, axis=1, keepdims=True)
        s1 = jnp.sqrt(d1)
        s2 = jnp.sqrt(d2)
        i1 = idx_ref[0:N_ENT, :]
        i2 = idx_ref[N_ENT:2 * N_ENT, :]
        take1 = (s1 < s2) | ((s1 == s2) & (i1 < i2))
        nearest_ref[...] = jnp.where(take1, i1, i2)
        quant = jnp.where(take1, c1, c2)
        quant_ref[...] = quant
        diff = quant - ent
        loss = 1.25 * (jnp.sum(diff * diff) / (N_ENT * D))
        loss_ref[...] = jnp.reshape(loss, (1, 1))

    score_ref[...] = lax.dot_general(
        q_ref[...], quant_ref[...], (((1,), (1,)), ((), ())),
        preferred_element_type=jnp.float32)


def _score(query_emb, entity_emb, rows, idx_col):
    grid = Q // QBLK
    return pl.pallas_call(
        _score_body,
        grid=(grid,),
        in_specs=[
            pl.BlockSpec((QBLK, D), lambda i: (i, 0)),
            pl.BlockSpec((N_ENT, D), lambda i: (0, 0)),
            pl.BlockSpec((2 * N_ENT, D), lambda i: (0, 0)),
            pl.BlockSpec((2 * N_ENT, 1), lambda i: (0, 0)),
        ],
        out_specs=[
            pl.BlockSpec((QBLK, N_ENT), lambda i: (i, 0)),
            pl.BlockSpec((1, 1), lambda i: (0, 0)),
            pl.BlockSpec((N_ENT, 1), lambda i: (0, 0)),
        ],
        out_shape=[
            jax.ShapeDtypeStruct((Q, N_ENT), jnp.float32),
            jax.ShapeDtypeStruct((1, 1), jnp.float32),
            jax.ShapeDtypeStruct((N_ENT, 1), jnp.int32),
        ],
        scratch_shapes=[pltpu.VMEM((N_ENT, D), jnp.float32)],
    )(query_emb, entity_emb, rows, idx_col)


def kernel(query_emb, entity_emb, codebook):
    idx_col = _top2(entity_emb, codebook)
    rows = _gather_rows(codebook, idx_col)
    score, loss, nearest = _score(query_emb, entity_emb, rows, idx_col)
    return score, loss.reshape(()), nearest.reshape(N_ENT)

# --- scband reference (transcript-rebuilt; emitter-appended) ---
"""Pipeline reference for scband-codebook-decoder-1632087573351 (READ-ONLY COPY).

The authoritative reference and input builder live on the scoring server;
editing this copy changes nothing except your own understanding.
"""

import jax, jax.numpy as jnp
import numpy as np

COMMITMENT_BETA = 0.25

def setup_inputs(seed: int = 0) -> dict:
    key = jax.random.key(seed)
    k1, k2, k3 = jax.random.split(key, 3)
    query_emb = jax.random.normal(k1, (4096, 256), dtype=jnp.float32)
    entity_emb = jax.random.normal(k2, (1024, 256), dtype=jnp.float32)
    codebook = jax.random.normal(k3, (512, 256), dtype=jnp.float32)
    return {"query_emb": query_emb, "entity_emb": entity_emb, "codebook": codebook}

def reference(query_emb, entity_emb, codebook):
    # quantize: nearest-neighbor lookup + VQ loss (faithful to torch broadcast + norm)
    x_expanded = entity_emb[:, None, :]              # [N, 1, d]
    codebook_expanded = codebook[None, :, :]         # [1, K, d]
    distances = jnp.linalg.norm(x_expanded - codebook_expanded, axis=2)  # [N, K]
    nearest_idx = jnp.argmin(distances, axis=1)      # [N]
    quantized = codebook[nearest_idx]                # [N, d]
    vq_loss = jnp.mean((jax.lax.stop_gradient(quantized) - entity_emb) ** 2) \
        + COMMITMENT_BETA * jnp.mean((quantized - jax.lax.stop_gradient(entity_emb)) ** 2)
    score = jnp.matmul(query_emb, quantized.T)       # [Q, N]
    return (score, vq_loss, nearest_idx)

if __name__ == "__main__":
    import jax
    _d = setup_inputs()
    print(jax.jit(kernel)(*tuple(_d.values())))

</pallas_src>

<mosaic_0001>
#map = affine_map<(d0, d1) -> (0, 0)>
#map1 = affine_map<(d0, d1) -> (0)>
module attributes {stable_mosaic.version = 14 : i64} {
  func.func @k(%arg0: i32, %arg1: i32, %arg2: memref<512x256xf32, #tpu.memory_space<hbm>>, %arg3: memref<2048xi32, #tpu.memory_space<hbm>>, %arg4: memref<2048x256xf32, #tpu.memory_space<hbm>>, %arg5: memref<128xi32, #tpu.memory_space<vmem>>, %arg6: memref<128x256xf32, #tpu.memory_space<vmem>>, %arg7: memref<!tpu.dma_semaphore, #tpu.memory_space<semaphore_mem>>) attributes {dimension_semantics = [#tpu.dimension_semantics<core_parallel>, #tpu.dimension_semantics<subcore_parallel>], iteration_bounds = array<i64: 1, 16>, scalar_prefetch = 0 : i64, scratch_operands = 3 : i64, tpu.core_type = #tpu.core_type<sc_vector_subcore>, window_params = [{transform_indices = #map}, {transform_indices = #map1}, {transform_indices = #map}]} {
    %mul3A = arith.constant 1 : i32
    %mul3A_0 = arith.muli %arg1, %mul3A : i32
    %add3A = arith.addi %mul3A_0, %arg0 : i32
    %mul3A_1 = arith.constant 128 : i32
    %mul3A_2 = arith.muli %add3A, %mul3A_1 : i32
    "tpu.region"() ({
      %run_scoped3A = tpu.sem_alloc : memref<!tpu.dma_semaphore, #tpu.memory_space<semaphore_mem>>
      %dma_start3A_7 = tpu.memref_slice %arg3[%mul3A_2] : memref<2048xi32, #tpu.memory_space<hbm>> -> memref<128xi32, #tpu.memory_space<hbm>>
      %dma_start3A_8 = tpu.memref_slice %arg3[%mul3A_2] : memref<2048xi32, #tpu.memory_space<hbm>> -> memref<128xi32, #tpu.memory_space<hbm>>
      tpu.enqueue_dma source(%dma_start3A_8 : memref<128xi32, #tpu.memory_space<hbm>>) target(%arg5 : memref<128xi32, #tpu.memory_space<vmem>>) target_semaphore(%run_scoped3A : memref<!tpu.dma_semaphore, #tpu.memory_space<semaphore_mem>>)
      %dma_wait3A_9 = tpu.memref_slice %arg3[%mul3A_2] : memref<2048xi32, #tpu.memory_space<hbm>> -> memref<128xi32, #tpu.memory_space<hbm>>
      %dma_wait3A_10 = tpu.memref_slice %arg3[%mul3A_2] : memref<2048xi32, #tpu.memory_space<hbm>> -> memref<128xi32, #tpu.memory_space<hbm>>
      tpu.wait_dma2 semaphore(%run_scoped3A : memref<!tpu.dma_semaphore, #tpu.memory_space<semaphore_mem>>) src(%dma_wait3A_10 : memref<128xi32, #tpu.memory_space<hbm>>) dst(%arg5 : memref<128xi32, #tpu.memory_space<vmem>>)
      tpu.yield
    }) : () -> ()
    %dma_start3A = arith.constant 0 : i32
    %dma_start3A_3 = arith.constant 0 : i32
    %dma_start3A_4 = tpu.memref_slice %arg2[%dma_start3A, %dma_start3A_3] : memref<512x256xf32, #tpu.memory_space<hbm>> -> memref<512x256xf32, #tpu.memory_space<hbm>>
    tpu.enqueue_indirect_dma source(%dma_start3A_4 : memref<512x256xf32, #tpu.memory_space<hbm>>) target(%arg6 : memref<128x256xf32, #tpu.memory_space<vmem>>) offsets(%arg5 : memref<128xi32, #tpu.memory_space<vmem>>) semaphore(%arg7 : memref<!tpu.dma_semaphore, #tpu.memory_space<semaphore_mem>>)
    %dma_wait3A = arith.constant 0 : i32
    %dma_wait3A_5 = arith.constant 0 : i32
    %dma_wait3A_6 = tpu.memref_slice %arg2[%dma_wait3A, %dma_wait3A_5] : memref<512x256xf32, #tpu.memory_space<hbm>> -> memref<512x256xf32, #tpu.memory_space<hbm>>
    tpu.wait_indirect_dma semaphore(%arg7 : memref<!tpu.dma_semaphore, #tpu.memory_space<semaphore_mem>>) src(%dma_wait3A_6 : memref<512x256xf32, #tpu.memory_space<hbm>>) dst(%arg6 : memref<128x256xf32, #tpu.memory_space<vmem>>)
    "tpu.region"() ({
      %run_scoped3A = tpu.sem_alloc : memref<!tpu.dma_semaphore, #tpu.memory_space<semaphore_mem>>
      %dma_start3A_7 = arith.constant 0 : i32
      %dma_start3A_8 = tpu.memref_slice %arg4[%mul3A_2, %dma_start3A_7] : memref<2048x256xf32, #tpu.memory_space<hbm>> -> memref<128x256xf32, #tpu.memory_space<hbm>>
      %dma_start3A_9 = arith.constant 0 : i32
      %dma_start3A_10 = tpu.memref_slice %arg4[%mul3A_2, %dma_start3A_9] : memref<2048x256xf32, #tpu.memory_space<hbm>> -> memref<128x256xf32, #tpu.memory_space<hbm>>
      tpu.enqueue_dma source(%arg6 : memref<128x256xf32, #tpu.memory_space<vmem>>) target(%dma_start3A_10 : memref<128x256xf32, #tpu.memory_space<hbm>>) target_semaphore(%run_scoped3A : memref<!tpu.dma_semaphore, #tpu.memory_space<semaphore_mem>>)
      %dma_wait3A_11 = arith.constant 0 : i32
      %dma_wait3A_12 = tpu.memref_slice %arg4[%mul3A_2, %dma_wait3A_11] : memref<2048x256xf32, #tpu.memory_space<hbm>> -> memref<128x256xf32, #tpu.memory_space<hbm>>
      %dma_wait3A_13 = arith.constant 0 : i32
      %dma_wait3A_14 = tpu.memref_slice %arg4[%mul3A_2, %dma_wait3A_13] : memref<2048x256xf32, #tpu.memory_space<hbm>> -> memref<128x256xf32, #tpu.memory_space<hbm>>
      tpu.wait_dma2 semaphore(%run_scoped3A : memref<!tpu.dma_semaphore, #tpu.memory_space<semaphore_mem>>) src(%arg6 : memref<128x256xf32, #tpu.memory_space<vmem>>) dst(%dma_wait3A_14 : memref<128x256xf32, #tpu.memory_space<hbm>>)
      tpu.yield
    }) : () -> ()
    return
  }
}

module attributes {stable_mosaic.version = 14 : i64} {
  func.func @_top2_body(%arg0: memref<1024x256xf32, #tpu.memory_space<vmem>>, %arg1: memref<512x256xf32, #tpu.memory_space<vmem>>, %arg2: memref<2048x1xi32, #tpu.memory_space<vmem>>) attributes {dimension_semantics = [], scalar_prefetch = 0 : i64, scratch_operands = 0 : i64, tpu.core_type = #tpu.core_type<tc>} {
    %get3A = arith.constant 0 : index
    %get3A_0 = arith.constant 0 : index
    %get3A_1 = vector.load %arg0[%get3A, %get3A_0] : memref<1024x256xf32, #tpu.memory_space<vmem>>, vector<1024x256xf32>
    %get3A_2 = arith.constant 0 : index
    %get3A_3 = arith.constant 0 : index
    %get3A_4 = vector.load %arg1[%get3A_2, %get3A_3] : memref<512x256xf32, #tpu.memory_space<vmem>>, vector<512x256xf32>
    %transpose3A = tpu.transpose %get3A_4, [1, 0] : vector<512x256xf32> -> vector<256x512xf32>
    %mul3A = arith.mulf %transpose3A, %transpose3A : vector<256x512xf32>
    %reduce_sum3A = arith.constant dense<0.000000e+00> : vector<512xf32>
    %reduce_sum3A_5 = vector.multi_reduction <add>, %mul3A, %reduce_sum3A [0] : vector<256x512xf32> to vector<512xf32>
    %broadcast_in_dim3A = vector.shape_cast %reduce_sum3A_5 : vector<512xf32> to vector<1x512xf32>
    %dot_general3A = arith.constant dense<0.000000e+00> : vector<1024x512xf32>
    %dot_general3A_6 = tpu.matmul %get3A_1, %transpose3A, %dot_general3A {dimension_numbers = #tpu.dot_dimension_numbers<[1], [0], [0], [1], [0, 0, 1, 1], [], []>, precision = #tpu.contract_precision<fp32>, transpose_lhs_hint = false} : vector<1024x256xf32>, vector<256x512xf32>, vector<1024x512xf32> -> vector<1024x512xf32>
    %mul3A_7 = arith.constant 2.000000e+00 : f32
    %mul3A_8 = vector.broadcast %mul3A_7 : f32 to vector<1024x512xf32>
    %mul3A_9 = arith.mulf %mul3A_8, %dot_general3A_6 : vector<1024x512xf32>
    %sub3A = vector.broadcast %broadcast_in_dim3A : vector<1x512xf32> to vector<1024x512xf32>
    %sub3A_10 = arith.subf %sub3A, %mul3A_9 : vector<1024x512xf32>
    %iota3A = tpu.iota {dimensions = array<i32: 1>} : vector<1024x512xi32>
    %convert_element_type3A = arith.sitofp %iota3A : vector<1024x512xi32> to vector<1024x512xf32>
    %reduce_min3A = arith.constant dense<0x7F800000> : vector<1024xf32>
    %reduce_min3A_11 = vector.multi_reduction <minimumf>, %sub3A_10, %reduce_min3A [1] : vector<1024x512xf32> to vector<1024xf32>
    %broadcast_in_dim3A_12 = vector.shape_cast %reduce_min3A_11 : vector<1024xf32> to vector<1024x1xf32>
    %eq3A = vector.broadcast %broadcast_in_dim3A_12 : vector<1024x1xf32> to vector<1024x512xf32>
    %eq3A_13 = arith.cmpf oeq, %sub3A_10, %eq3A : vector<1024x512xf32>
    %jit3A = arith.constant 5.120000e+02 : f32
    %broadcast_in_dim3A_14 = vector.broadcast %jit3A : f32 to vector<1024x512xf32>
    %select_n3A = arith.select %eq3A_13, %convert_element_type3A, %broadcast_in_dim3A_14 : vector<1024x512xi1>, vector<1024x512xf32>
    %reduce_min3A_15 = arith.constant dense<0x7F800000> : vector<1024xf32>
    %reduce_min3A_16 = vector.multi_reduction <minimumf>, %select_n3A, %reduce_min3A_15 [1] : vector<1024x512xf32> to vector<1024xf32>
    %broadcast_in_dim3A_17 = vector.shape_cast %reduce_min3A_16 : vector<1024xf32> to vector<1024x1xf32>
    %eq3A_18 = vector.broadcast %broadcast_in_dim3A_17 : vector<1024x1xf32> to vector<1024x512xf32>
    %eq3A_19 = arith.cmpf oeq, %convert_element_type3A, %eq3A_18 : vector<1024x512xf32>
    %jit3A_20 = arith.constant 0x7F800000 : f32
    %broadcast_in_dim3A_21 = vector.broadcast %jit3A_20 : f32 to vector<1024x512xf32>
    %select_n3A_22 = arith.select %eq3A_19, %broadcast_in_dim3A_21, %sub3A_10 : vector<1024x512xi1>, vector<1024x512xf32>
    %reduce_min3A_23 = arith.constant dense<0x7F800000> : vector<1024xf32>
    %reduce_min3A_24 = vector.multi_reduction <minimumf>, %select_n3A_22, %reduce_min3A_23 [1] : vector<1024x512xf32> to vector<1024xf32>
    %broadcast_in_dim3A_25 = vector.shape_cast %reduce_min3A_24 : vector<1024xf32> to vector<1024x1xf32>
    %eq3A_26 = vector.broadcast %broadcast_in_dim3A_25 : vector<1024x1xf32> to vector<1024x512xf32>
    %eq3A_27 = arith.cmpf oeq, %select_n3A_22, %eq3A_26 : vector<1024x512xf32>
    %jit3A_28 = arith.constant 5.120000e+02 : f32
    %broadcast_in_dim3A_29 = vector.broadcast %jit3A_28 : f32 to vector<1024x512xf32>
    %select_n3A_30 = arith.select %eq3A_27, %convert_element_type3A, %broadcast_in_dim3A_29 : vector<1024x512xi1>, vector<1024x512xf32>
    %reduce_min3A_31 = arith.constant dense<0x7F800000> : vector<1024xf32>
    %reduce_min3A_32 = vector.multi_reduction <minimumf>, %select_n3A_30, %reduce_min3A_31 [1] : vector<1024x512xf32> to vector<1024xf32>
    %broadcast_in_dim3A_33 = vector.shape_cast %reduce_min3A_32 : vector<1024xf32> to vector<1024x1xf32>
    %convert_element_type3A_34 = arith.fptosi %broadcast_in_dim3A_17 : vector<1024x1xf32> to vector<1024x1xi32>
    %swap3A = arith.constant 0 : index
    %swap3A_35 = arith.constant 0 : index
    %swap3A_36 = vector.load %arg2[%swap3A, %swap3A_35] : memref<2048x1xi32, #tpu.memory_space<vmem>>, vector<1024x1xi32>
    tpu.vector_store %arg2[%swap3A, %swap3A_35], %convert_element_type3A_34 {strides = array<i32>} : memref<2048x1xi32, #tpu.memory_space<vmem>>, vector<1024x1xi32>,
    %convert_element_type3A_37 = arith.fptosi %broadcast_in_dim3A_33 : vector<1024x1xf32> to vector<1024x1xi32>
    %swap3A_38 = arith.constant 1024 : index
    %swap3A_39 = arith.constant 0 : index
    %swap3A_40 = vector.load %arg2[%swap3A_38, %swap3A_39] : memref<2048x1xi32, #tpu.memory_space<vmem>>, vector<1024x1xi32>
    tpu.vector_store %arg2[%swap3A_38, %swap3A_39], %convert_element_type3A_37 {strides = array<i32>} : memref<2048x1xi32, #tpu.memory_space<vmem>>, vector<1024x1xi32>,
    return
  }
}

module attributes {stable_mosaic.version = 14 : i64} {
  func.func @_score_body(%arg0: i32, %arg1: memref<2048x256xf32, #tpu.memory_space<vmem>>, %arg2: memref<1024x256xf32, #tpu.memory_space<vmem>>, %arg3: memref<2048x256xf32, #tpu.memory_space<vmem>>, %arg4: memref<2048x1xi32, #tpu.memory_space<vmem>>, %arg5: memref<2048x1024xf32, #tpu.memory_space<vmem>>, %arg6: memref<1x1xf32, #tpu.memory_space<vmem>>, %arg7: memref<1024x1xi32, #tpu.memory_space<vmem>>, %arg8: memref<1024x256xf32, #tpu.memory_space<vmem>>) attributes {dimension_semantics = [#tpu.dimension_semantics<arbitrary>], iteration_bounds = array<i64: 2>, scalar_prefetch = 0 : i64, scratch_operands = 1 : i64, tpu.core_type = #tpu.core_type<tc>, window_params = [{transform_indices = @transform_0, window_bounds = array<i64: 2048, 256>}, {pipeline_mode = #tpu.pipeline_mode<synchronous>, transform_indices = @transform_1, window_bounds = array<i64: 1024, 256>}, {pipeline_mode = #tpu.pipeline_mode<synchronous>, transform_indices = @transform_2, window_bounds = array<i64: 2048, 256>}, {pipeline_mode = #tpu.pipeline_mode<synchronous>, transform_indices = @transform_3, window_bounds = array<i64: 2048, 1>}, {transform_indices = @transform_4, window_bounds = array<i64: 2048, 1024>}, {pipeline_mode = #tpu.pipeline_mode<synchronous>, transform_indices = @transform_5, window_bounds = array<i64: 1, 1>}, {pipeline_mode = #tpu.pipeline_mode<synchronous>, transform_indices = @transform_6, window_bounds = array<i64: 1024, 1>}]} {
    %eq3A = arith.constant 0 : i32
    %eq3A_0 = arith.cmpi eq, %arg0, %eq3A : i32
    %convert_element_type3A = arith.extui %eq3A_0 : i1 to i32
    %cond3A = arith.constant 0 : i32
    %cond3A_1 = arith.cmpi ne, %convert_element_type3A, %cond3A : i32
    scf.if %cond3A_1 {
      %get3A_10 = arith.constant 0 : index
      %get3A_11 = arith.constant 0 : index
      %get3A_12 = vector.load %arg2[%get3A_10, %get3A_11] : memref<1024x256xf32, #tpu.memory_space<vmem>>, vector<1024x256xf32>
      %get3A_13 = arith.constant 0 : index
      %get3A_14 = arith.constant 0 : index
      %get3A_15 = vector.load %arg3[%get3A_13, %get3A_14] : memref<2048x256xf32, #tpu.memory_space<vmem>>, vector<1024x256xf32>
      %get3A_16 = arith.constant 1024 : index
      %get3A_17 = arith.constant 0 : index
      %get3A_18 = vector.load %arg3[%get3A_16, %get3A_17] : memref<2048x256xf32, #tpu.memory_space<vmem>>, vector<1024x256xf32>
      %sub3A = arith.subf %get3A_12, %get3A_15 : vector<1024x256xf32>
      %integer_pow3A = arith.mulf %sub3A, %sub3A : vector<1024x256xf32>
      %reduce_sum3A = arith.constant dense<0.000000e+00> : vector<1024xf32>
      %reduce_sum3A_19 = vector.multi_reduction <add>, %integer_pow3A, %reduce_sum3A [1] : vector<1024x256xf32> to vector<1024xf32>
      %broadcast_in_dim3A = vector.shape_cast %reduce_sum3A_19 : vector<1024xf32> to vector<1024x1xf32>
      %sub3A_20 = arith.subf %get3A_12, %get3A_18 : vector<1024x256xf32>
      %integer_pow3A_21 = arith.mulf %sub3A_20, %sub3A_20 : vector<1024x256xf32>
      %reduce_sum3A_22 = arith.constant dense<0.000000e+00> : vector<1024xf32>
      %reduce_sum3A_23 = vector.multi_reduction <add>, %integer_pow3A_21, %reduce_sum3A_22 [1] : vector<1024x256xf32> to vector<1024xf32>
      %broadcast_in_dim3A_24 = vector.shape_cast %reduce_sum3A_23 : vector<1024xf32> to vector<1024x1xf32>
      %sqrt3A = math.sqrt %broadcast_in_dim3A : vector<1024x1xf32>
      %sqrt3A_25 = math.sqrt %broadcast_in_dim3A_24 : vector<1024x1xf32>
      %get3A_26 = arith.constant 0 : index
      %get3A_27 = arith.constant 0 : index
      %get3A_28 = vector.load %arg4[%get3A_26, %get3A_27] : memref<2048x1xi32, #tpu.memory_space<vmem>>, vector<1024x1xi32>
      %get3A_29 = arith.constant 1024 : index
      %get3A_30 = arith.constant 0 : index
      %get3A_31 = vector.load %arg4[%get3A_29, %get3A_30] : memref<2048x1xi32, #tpu.memory_space<vmem>>, vector<1024x1xi32>
      %lt3A = arith.cmpf olt, %sqrt3A, %sqrt3A_25 : vector<1024x1xf32>
      %eq3A_32 = arith.cmpf oeq, %sqrt3A, %sqrt3A_25 : vector<1024x1xf32>
      %lt3A_33 = arith.cmpi slt, %get3A_28, %get3A_31 : vector<1024x1xi32>
      %and3A = arith.andi %eq3A_32, %lt3A_33 : vector<1024x1xi1>
      %or3A = arith.ori %lt3A, %and3A : vector<1024x1xi1>
      %select_n3A = arith.select %or3A, %get3A_28, %get3A_31 : vector<1024x1xi1>, vector<1024x1xi32>
      %swap3A_34 = arith.constant 0 : index
      %swap3A_35 = arith.constant 0 : index
      %swap3A_36 = vector.load %arg7[%swap3A_34, %swap3A_35] : memref<1024x1xi32, #tpu.memory_space<vmem>>, vector<1024x1xi32>
      tpu.vector_store %arg7[%swap3A_34, %swap3A_35], %select_n3A {strides = array<i32>} : memref<1024x1xi32, #tpu.memory_space<vmem>>, vector<1024x1xi32>,
      %broadcast_in_dim3A_37 = vector.shape_cast %or3A : vector<1024x1xi1> to vector<1024x1xi1>
      %broadcast_in_dim3A_38 = vector.broadcast %broadcast_in_dim3A_37 : vector<1024x1xi1> to vector<1024x256xi1>
      %select_n3A_39 = arith.select %broadcast_in_dim3A_38, %get3A_15, %get3A_18 : vector<1024x256xi1>, vector<1024x256xf32>
      %swap3A_40 = arith.constant 0 : index
      %swap3A_41 = arith.constant 0 : index
      %swap3A_42 = vector.load %arg8[%swap3A_40, %swap3A_41] : memref<1024x256xf32, #tpu.memory_space<vmem>>, vector<1024x256xf32>
      tpu.vector_store %arg8[%swap3A_40, %swap3A_41], %select_n3A_39 {strides = array<i32>} : memref<1024x256xf32, #tpu.memory_space<vmem>>, vector<1024x256xf32>,
      %sub3A_43 = arith.subf %select_n3A_39, %get3A_12 : vector<1024x256xf32>
      %mul3A = arith.mulf %sub3A_43, %sub3A_43 : vector<1024x256xf32>
      %reduce_sum3A_44 = vector.shape_cast %mul3A : vector<1024x256xf32> to vector<1x1024x256xf32>
      %reduce_sum3A_45 = arith.constant dense<0.000000e+00> : vector<1xf32>
      %reduce_sum3A_46 = vector.multi_reduction <add>, %reduce_sum3A_44, %reduce_sum3A_45 [1, 2] : vector<1x1024x256xf32> to vector<1xf32>
      %reduce_sum3A_47 = vector.shape_cast %reduce_sum3A_46 : vector<1xf32> to vector<1x1x1xf32>
      %reduce_sum3A_48 = vector.extract %reduce_sum3A_47[0, 0, 0] : f32 from vector<1x1x1xf32>
      %div3A = arith.constant 2.621440e+05 : f32
      %div3A_49 = arith.divf %reduce_sum3A_48, %div3A : f32
      %mul3A_50 = arith.constant 1.250000e+00 : f32
      %mul3A_51 = arith.mulf %mul3A_50, %div3A_49 : f32
      %reshape3A = vector.broadcast %mul3A_51 : f32 to vector<1x1xf32>
      %swap3A_52 = arith.constant 0 : index
      %swap3A_53 = arith.constant 0 : index
      %swap3A_54 = vector.load %arg6[%swap3A_52, %swap3A_53] : memref<1x1xf32, #tpu.memory_space<vmem>>, vector<1x1xf32>
      tpu.vector_store %arg6[%swap3A_52, %swap3A_53], %reshape3A {strides = array<i32>} : memref<1x1xf32, #tpu.memory_space<vmem>>, vector<1x1xf32>,
    } else {
    }
    %get3A = arith.constant 0 : index
    %get3A_2 = arith.constant 0 : index
    %get3A_3 = vector.load %arg1[%get3A, %get3A_2] : memref<2048x256xf32, #tpu.memory_space<vmem>>, vector<2048x256xf32>
    %get3A_4 = arith.constant 0 : index
    %get3A_5 = arith.constant 0 : index
    %get3A_6 = vector.load %arg8[%get3A_4, %get3A_5] : memref<1024x256xf32, #tpu.memory_space<vmem>>, vector<1024x256xf32>
    %dot_general3A = arith.constant dense<0.000000e+00> : vector<2048x1024xf32>
    %dot_general3A_7 = tpu.matmul %get3A_3, %get3A_6, %dot_general3A {dimension_numbers = #tpu.dot_dimension_numbers<[1], [1], [0], [0], [0, 0, 1, 0], [], []>, transpose_lhs_hint = false} : vector<2048x256xf32>, vector<1024x256xf32>, vector<2048x1024xf32> -> vector<2048x1024xf32>
    %swap3A = arith.constant 0 : index
    %swap3A_8 = arith.constant 0 : index
    %swap3A_9 = vector.load %arg5[%swap3A, %swap3A_8] : memref<2048x1024xf32, #tpu.memory_space<vmem>>, vector<2048x1024xf32>
    tpu.vector_store %arg5[%swap3A, %swap3A_8], %dot_general3A_7 {strides = array<i32>} : memref<2048x1024xf32, #tpu.memory_space<vmem>>, vector<2048x1024xf32>,
    return
  }
  func.func @transform_0(%arg0: i32) -> (i32, i32) {
    %c0_i32 = arith.constant 0 : i32
    %c0_i32_0 = arith.constant 0 : i32
    return %arg0, %c0_i32 : i32, i32
  }
  func.func @transform_1(%arg0: i32) -> (i32, i32) {
    %c0_i32 = arith.constant 0 : i32
    %c0_i32_0 = arith.constant 0 : i32
    %c0_i32_1 = arith.constant 0 : i32
    return %c0_i32, %c0_i32_0 : i32, i32
  }
  func.func @transform_2(%arg0: i32) -> (i32, i32) {
    %c0_i32 = arith.constant 0 : i32
    %c0_i32_0 = arith.constant 0 : i32
    %c0_i32_1 = arith.constant 0 : i32
    return %c0_i32, %c0_i32_0 : i32, i32
  }
  func.func @transform_3(%arg0: i32) -> (i32, i32) {
    %c0_i32 = arith.constant 0 : i32
    %c0_i32_0 = arith.constant 0 : i32
    %c0_i32_1 = arith.constant 0 : i32
    return %c0_i32, %c0_i32_0 : i32, i32
  }
  func.func @transform_4(%arg0: i32) -> (i32, i32) {
    %c0_i32 = arith.constant 0 : i32
    %c0_i32_0 = arith.constant 0 : i32
    return %arg0, %c0_i32 : i32, i32
  }
  func.func @transform_5(%arg0: i32) -> (i32, i32) {
    %c0_i32 = arith.constant 0 : i32
    %c0_i32_0 = arith.constant 0 : i32
    %c0_i32_1 = arith.constant 0 : i32
    return %c0_i32, %c0_i32_0 : i32, i32
  }
  func.func @transform_6(%arg0: i32) -> (i32, i32) {
    %c0_i32 = arith.constant 0 : i32
    %c0_i32_0 = arith.constant 0 : i32
    %c0_i32_1 = arith.constant 0 : i32
    return %c0_i32, %c0_i32_0 : i32, i32
  }
}

</mosaic_0001>

<sc_bundles>
// kernel: kernel.5.cloned.1.call-start
scs
__scs_entry_jumppad:
0x0: {  	(pc) =	sbr.rel $0x88, $3  }
0x1: {  	(tag) =	ssettag $0x0;
	lr =	simm.s32 $0x1  }
0x2: {  	[smem:$0x3F9E] =	sst lr;
	_ =	strace $0xD0000000  }
0x3: {  	_ = 	snop  }
0x4: {  	_ = 	snop  }
0x5: {  	_ = 	snop  }
0x6: {  	_ = 	snop  }
0x7: {  	_ = 	snop  }
__scs_overlays_trampoline_lowered:
0x8: {  	[smem:$0x3FAD] =	sst s0  }
0x9: {  	[smem:$0x3FAE] =	sst s1  }
0xa: {  	[smem:$0x3FAF] =	sst s2  }
0xb: {  	[smem:$0x3FB0] =	sst s3  }
0xc: {  	[smem:$0x3FB1] =	sst s4  }
0xd: {  	[smem:$0x3FB2] =	sst s5  }
0xe: {  	[smem:$0x3FB3] =	sst s6  }
0xf: {  	[smem:$0x3FB4] =	sst s7  }
0x10: {  	[smem:$0x3FB5] =	sst s8  }
0x11: {  	[smem:$0x3FB6] =	sst s9;
	s0 =	simm.s32 @!p0 $0x0  }
0x12: {  	s1 =	sld [smem:$0x3F9C];
	s0 =	simm.s32 @p0 $0x1  }
0x13: {  	[smem:$0x3FB7] =	sst s0;
	s0 =	simm.s32 @!p1 $0x0  }
0x14: {  	s2 =	sld [smem:$0x3F9B];
	s0 =	simm.s32 @p1 $0x1  }
0x15: {  	[smem:$0x3FB8] =	sst s0;
	s0 =	simm.s32 @!p2 $0x0  }
0x16: {  	s3 =	sld [smem:$0x3FDB];
	s0 =	simm.s32 @p2 $0x1  }
0x17: {  	s4 =	simm.s32 $0x1BF5;
	[smem:$0x3FBA] =	sst s0  }
0x18: {  	s0 =	sld [smem:$0x3F9D];
	_ =	swait.ge [sflag:s4], $0x0  }
0x19: {  	s7 =	sld [smem:$0x3F9E]  }
0x1a: {  	s8 =	sadd.s32 $0xFFFFE003, lr  }
0x1b: {  	s9 =	sadd.s32 $0xFFFFFEF7, lr;
	s5 =	simm.s32 $0xFFFFFFFF;
	p2 =	slt.u32 s8, $0xFFFFF086  }
0x1c: {  	p1 =	slt.u32 s9, $0xF7A;
	s5 =	simm.s32 @!p2 $0x0  }
0x1d: {  	s5 =	simm.s32 @p1 $0x1;
	p0 =	seq.s32 s7, s2  }
0x1e: {  	s7 =	smul.u32 @!p0 $0xF7A, s2;
	p2 =	seq.s32 @!p0 s5, $0x0  }
0x1f: {  	s9 =	smul.u32 $0xF7A, s1;
	s8 =	simm.s32 @!p0 $0x1BF5;
	p2 =	por !p2, p0  }
0x20: {  	[sflag:s8] =	ssyncset.s32 @!p0 $0xFFFFF086;
	s6 =	sadd.s32 @!p0 s3, s7;
	s7 =	simm.s32 @!p0 $0x108  }
0x21: {  	s3 =	sadd.s32 s3, s9;
	s6 =	sadd.s32 @!p0 $0x88, s6;
	s7 =	simm.s32 @p2 $0x1082  }
0x22: {  	[simem:s7], [sflag:s8] =	dma.local @!p0 [hbm:s6], $0xF7A  }
0x23: {  	s9 =	sor.u32 $0xD0000000, s2;
	s6 =	simm.s32 $0x108;
	_ =	swait.ge @!p0 [sflag:s8], $0x0  }
0x24: {  	s3 =	sadd.s32 $0x88, s3;
	s6 =	simm.s32 @!p1 $0x1082;
	[sflag:s4] =	ssyncset.s32 $0xFFFFF086  }
0x25: {  	[simem:s6], [sflag:s4] =	dma.local [hbm:s3], $0xF7A  }
0x26: {  	[smem:$0x3F9E] =	sst s1;
	(tag) =	ssettag s2;
	_ =	strace s9  }
0x27: {  	s1 =	sld [smem:$0x3FAE]  }
0x28: {  	s2 =	sld [smem:$0x3FAF]  }
0x29: {  	s4 =	sld [smem:$0x3FB1]  }
0x2a: {  	p0 =	seq.s32 s5, $0x0;
	s5 =	sld [smem:$0x3FB2]  }
0x2b: {  	s6 =	sld [smem:$0x3FB3]  }
0x2c: {  	s7 =	sld [smem:$0x3FB4]  }
0x2d: {  	s3 =	simm.s32 $0x108;
	s8 =	sld [smem:$0x3FB5]  }
0x2e: {  	s3 =	simm.s32 @!p0 $0x1082;
	s9 =	sld [smem:$0x3FB6]  }
0x2f: {  	lr =	sadd.s32 s0, s3;
	s0 =	sld [smem:$0x3FAD]  }
0x30: {  	s3 =	sld [smem:$0x3FB0]  }
0x31: {  	[smem:$0x3FB9] =	sst s10  }
0x32: {  	s10 =	sld [smem:$0x3FB7];
	_ =	sdelay $0x3  }
0x33: {  	p0 =	seq.s32 s10, $0x1;
	s10 =	sld [smem:$0x3FB9];
	_ =	sdelay $0x3  }
0x34: {  	[smem:$0x3FB9] =	sst s10  }
0x35: {  	s10 =	sld [smem:$0x3FB8];
	_ =	sdelay $0x3  }
0x36: {  	p1 =	seq.s32 s10, $0x1;
	s10 =	sld [smem:$0x3FB9];
	_ =	sdelay $0x3  }
0x37: {  	[smem:$0x3FB9] =	sst s10  }
0x38: {  	s10 =	sld [smem:$0x3FBA]  }
0x39: {  	_ = 	snop;
	(pc) =	sbr.ind lr, $3  }
0x3a: {  	_ = 	snop  }
0x3b: {  	_ = 	snop  }
0x3c: {  	p2 =	seq.s32 s10, $0x1;
	s10 =	sld [smem:$0x3FB9]  }
0x3d: {  	_ =	shalt  }
0x3e: {  	_ =	shalt  }
0x3f: {  	_ =	shalt  }
0x40: {  	_ =	shalt  }
0x41: {  	_ =	shalt  }
0x42: {  	_ =	shalt  }
0x43: {  	_ =	shalt  }
0x44: {  	_ =	shalt  }
0x45: {  	_ =	shalt  }
0x46: {  	_ =	shalt  }
0x47: {  	_ =	shalt  }
0x48: {  	_ =	shalt  }
0x49: {  	_ =	shalt  }
0x4a: {  	_ =	shalt  }
0x4b: {  	_ =	shalt  }
0x4c: {  	_ =	shalt  }
0x4d: {  	_ =	shalt  }
0x4e: {  	_ =	shalt  }
0x4f: {  	_ =	shalt  }
0x50: {  	_ =	shalt  }
0x51: {  	_ =	shalt  }
0x52: {  	_ =	shalt  }
0x53: {  	_ =	shalt  }
0x54: {  	_ =	shalt  }
0x55: {  	_ =	shalt  }
0x56: {  	_ =	shalt  }
0x57: {  	_ =	shalt  }
0x58: {  	_ =	shalt  }
0x59: {  	_ =	shalt  }
0x5a: {  	_ =	shalt  }
0x5b: {  	_ =	shalt  }
0x5c: {  	_ =	shalt  }
0x5d: {  	_ =	shalt  }
0x5e: {  	_ =	shalt  }
0x5f: {  	_ =	shalt  }
0x60: {  	_ =	shalt  }
0x61: {  	_ =	shalt  }
0x62: {  	_ =	shalt  }
0x63: {  	_ =	shalt  }
0x64: {  	_ =	shalt  }
0x65: {  	_ =	shalt  }
0x66: {  	_ =	shalt  }
0x67: {  	_ =	shalt  }
0x68: {  	_ =	shalt  }
0x69: {  	_ =	shalt  }
0x6a: {  	_ =	shalt  }
0x6b: {  	_ =	shalt  }
0x6c: {  	_ =	shalt  }
0x6d: {  	_ =	shalt  }
0x6e: {  	_ =	shalt  }
0x6f: {  	_ =	shalt  }
0x70: {  	_ =	shalt  }
0x71: {  	_ =	shalt  }
0x72: {  	_ =	shalt  }
0x73: {  	_ =	shalt  }
0x74: {  	_ =	shalt  }
0x75: {  	_ =	shalt  }
0x76: {  	_ =	shalt  }
0x77: {  	_ =	shalt  }
0x78: {  	_ =	shalt  }
0x79: {  	_ =	shalt  }
0x7a: {  	_ =	shalt  }
0x7b: {  	_ =	shalt  }
0x7c: {  	_ =	shalt  }
0x7d: {  	_ =	shalt  }
0x7e: {  	_ =	shalt  }
0x7f: {  	_ =	shalt  }
0x80: {  	_ =	shalt  }
0x81: {  	_ =	shalt  }
0x82: {  	_ =	shalt  }
0x83: {  	_ =	shalt  }
0x84: {  	_ =	shalt  }
0x85: {  	_ =	shalt  }
0x86: {  	_ =	shalt  }
0x87: {  	_ =	shalt  }
.Lfunc_end0:
.L_simem_size_0:
called_computation_lowered:
.L_overlay_start_0:
0x88: {  	s0 =	sld [smem:$0x3FD9]  }
0x89: {  	s1 =	sld [smem:$0x3FFE];
	_ =	sdelay $0x3  }
0x8a: {  	s0 =	sadd.s32 s1, s0  }
0x8b: {  	[smem:$0x3FC5] =	sst s0  }
0x8c: {  	_ = 	snop  }
0x8d: {  	s0 =	sld [smem:$0x3FD0];
	_ =	sdelay $0x2  }
0x8e: {  	s2 =	simm.s32 $0xA;
	s3 =	simm.s32 $0x10;
	s13 =	sld [smem:$0x3FC7]  }
0x8f: {  	[smem:s3], [sflag:s2] =	dma.local [hbm:s0], $0x1  }
0x90: {  	_ =	swait.eq [sflag:s2], $0x1  }
0x91: {  	[sflag:s2] =	ssyncset.done $0x0  }
0x92: {  	[sflag:s2] =	ssyncadd.s32 $0xFFFFFFFF  }
0x93: {  	s14 =	sld [smem:$0x10];
	(tm) =	ssettm $0x1  }
0x94: {  	s15 =	sld [smem:$0x3FFB];
	_ =	sdelay $0x3  }
0x95: {  	_ =	strace s15  }
0x96: {  	s2 =	sld [smem:$0x3FFC];
	_ =	sdelay $0x3  }
0x97: {  	_ =	strace s2  }
0x98: {  	s2 =	sld [smem:$0x3FFD];
	_ =	sdelay $0x3  }
0x99: {  	_ =	strace s2  }
0x9a: {  	_ =	strace $0x8FFFFFFF  }
0x9b: {  	s16 =	sld [smem:$0x3FDB];
	_ =	sdelay $0x1  }
0x9c: {  	s17 =	simm.s32 $_scs_section_size  }
0x9d: {  	s4 =	simm.s32 $_size__tile_overlayer_lowered;
	s5 =	simm.s32 $_tile_overlayer_lowered  }
0x9e: {  	s20 =	simm.s32 $0x1BFF;
	s19 =	sshll.u32 s5, $0x1;
	s2 =	sadd.s32 s17, s16  }
0x9f: {  	s6 =	simm.s32 $0x0;
	s18 =	sshll.u32 s4, $0x1;
	s4 =	sadd.s32 s19, s2  }
0xa0: {  	[timem:s6], [sflag:s20] =	dma.local [hbm:s4], s18  }
0xa1: {  	_ =	swait.ge [sflag:s20], s18  }
0xa2: {  	s3 =	ssub.s32 $0x0, s18;
	[sflag:s20] =	ssyncset.done $0x0  }
0xa3: {  	[sflag:s20] =	ssyncadd.s32 s3;
	_ =	sdelay $0x1  }
0xa4: {  	s21 =	simm.s32 $0x1B8B  }
0xa5: {  	_ =	swait.ge [sflag:s21], $0x1  }
0xa6: {  	[sflag:s21] =	ssyncset.done $0x0  }
0xa7: {  	s23 =	simm.s32 $0x1B8E;
	s22 =	sld [smem:$0x3FFE];
	[sflag:s21] =	ssyncadd.s32 $0xFFFFFFFF  }
0xa8: {  	s24 =	simm.s32 $execute0_lowered;
	[smem:$0x3FD2] =	sst s23  }
0xa9: {  	s4 =	sshll.u32 s24, $0x1;
	_ =	strace $0x80000046;
	[dreg:$0x1] =	wrdreg $0xFFFFFFFF  }
0xaa: {  	s25 =	simm.s32 $_size_execute0_lowered;
	s2 =	sadd.s32 s2, s4;
	[dreg:$0x0] =	wrdreg $0x0  }
0xab: {  	s4 =	sshll.u32 s25, $0x1;
	[dreg:$0x2] =	wrdreg s2  }
0xac: {  	[dreg:$0x3] =	wrdreg s4  }
0xad: {  	[dreg:$0x4] =	wrdreg $0xC0  }
0xae: {  	_ =	task [dreg:s6], $0x5FFFF  }
0xaf: {  	[dreg:$0x1] =	wrdreg $0xFFFFFFFF  }
0xb0: {  	[dreg:$0x0] =	wrdreg $0x60  }
0xb1: {  	[dreg:$0x2] =	wrdreg s13  }
0xb2: {  	[dreg:$0x3] =	wrdreg s22  }
0xb3: {  	[dreg:$0x4] =	wrdreg s14  }
0xb4: {  	[dreg:$0x5] =	wrdreg $0x9  }
0xb5: {  	_ =	task.clear_ibuf [dreg:s6], $0x6FFFF;
	_ =	strace $0x90000046  }
0xb6: {  	s26 =	simm.s32 $0x9;
	_ =	strace $0x80000048  }
0xb7: {  	_ =	swait.ge [sflag:s26], $0x1  }
0xb8: {  	[sflag:s26] =	ssyncadd.s32 $0xFFFFFFFF  }
0xb9: {  	_ =	strace $0x90000048  }
0xba: {  	_ =	sfence  }
0xbb: {  	s28 =	sld [smem:$0x0];
	_ =	sdelay $0x1  }
0xbc: {  	s29 =	srdreg.scid  }
0xbd: {  	s30 =	sshll.u32 s29, $0xD;
	s31 =	sshrl.u32 s29, $0x2  }
0xbe: {  	s1 =	sand.u32 $0x1, s29;
	s2 =	sand.u32 $0x4000, s30;
	s0 =	sadd.s32 s31, s28  }
0xbf: {  	s1 =	sor.u32 s2, s1;
	s0 =	sshll.u32 s0, $0x11  }
0xc0: {  	s0 =	sor.u32 s0, s1  }
0xc1: {  	s0 =	sadd.s32 $0x8F2B, s0  }
0xc2: {  	[sflag:s0] =	ssyncadd.remote.s32 $0x1  }
0xc3: {  	_ =	sfence.sel $0xFFFF  }
0xc4: {  	[dreg:$0x0] =	wrdreg $0xFFFFFFFF;
	(pc) =	sbr.abs _section_cstart, $3  }
0xc5: {  	[dreg:$0x1] =	wrdreg $0xFFFFFFFF  }
0xc6: {  	_ =	task.clear_ibuf [dreg:s6], $0x2FFFF;
	_ =	strace $0x9FFFFFFF  }
0xc7: {  	(tm) =	ssettm $0x7FFFFFFF  }
tec
execute0_lowered:
.L_overlay_start_1:
0x0: {  	(tag) =	ssettag $0x1  }
0x1: {  	s4 =	rddreg [dreg:$0x0]  }
0x2: {  	s5 =	rddreg [dreg:$0x1]  }
0x3: {  	s2 =	rddreg [dreg:$0x2];
	s1 =	stileid.u32  }
0x4: {  	s0 =	rddreg [dreg:$0x3];
	s3 =	simm.s32 $0x0;
	s6 =	sshll.u32 s1, $0x4  }
0x5: {  	[smem:$0x7FF] =	sst s3;
	s5 =	sadd.s32 s6, s5  }
0x6: {  	s13 =	simm.s32 $0x2;
	_ =	strace $0x80000047;
	s5 =	sadd.s32 $0x600, s5  }
0x7: {  	[tilespmem:s3], [sflag:$0x2] =	stream.linear.gather [hbm4b:s5+s3], $0x80, $0x38;
	[tilespmem:$0x8080] =	vst v63  }
0x8: {  	_ =	swait.ge [sflag:s13], $0x80  }
0x9: {  	[sflag:s13] =	ssyncset.done $0x0  }
0xa: {  	[sflag:s13] =	ssyncadd.s32 $0xFFFFFF80  }
0xb: {  	v0 =	vld [tilespmem:$0x0];
	_ =	sdelay $0x4  }
0xc: {  	v1 =	vshll.u32 v0, $0x1  }
0xd: {  	v2 =	vlaneseq.u32;
	v0 =	vand.u32 $0x7, v0;
	v1 =	vand.u32 $0xFFFFFFF0, v1  }
0xe: {  	v56 =	vand.u32 $0x7, v2;
	v3 =	vshrl.u32 v2, $0x3;
	v0 =	vor.u32 v0, v1  }
0xf: {  	v3 =	vmul.u32 $0x8, v3;
	v4 =	vperm.xlane v0, v56  }
0x10: {  	v2 =	vor.u32 $0x8, v2  }
0x11: {  	v0 =	vperm.xlane v0, v2;
	v4 =	vadd.s32 v3, v4;
	_ =	sdelay $0x1  }
0x12: {  	v0 =	vadd.s32 v3, v0;
	_ =	sdelay $0x1  }
0x13: {  	vm0 =	vmmov $0xffff;
	s14 =	simm.s32 $0x80  }
0x14: {  	[tilespmem:s14], [sflag:$0x1] =	stream.indirect_vreg.gather [hbm4b:s4+s3], $0x80, v4, vm0, $0xb8;
	[tilespmem:$0x8080] =	vst v63  }
0x15: {  	s7 =	simm.s32 $0x880  }
0x16: {  	[tilespmem:s7], [sflag:$0x1] =	stream.indirect_vreg.gather [hbm4b:s4+s3], $0x80, v0, vm0, $0xb8;
	[tilespmem:$0x8080] =	vst v63  }
0x17: {  	v0 =	vld [tilespmem:$0x10];
	_ =	sdelay $0x4  }
0x18: {  	v57 =	vshll.u32 v0, $0x1  }
0x19: {  	v0 =	vand.u32 $0x7, v0;
	v4 =	vand.u32 $0xFFFFFFF0, v57  }
0x1a: {  	v0 =	vor.u32 v0, v4  }
0x1b: {  	v4 =	vperm.xlane v0, v56;
	_ =	sdelay $0x1  }
0x1c: {  	v0 =	vperm.xlane v0, v2;
	v4 =	vadd.s32 v3, v4;
	_ =	sdelay $0x1  }
0x1d: {  	v0 =	vadd.s32 v3, v0;
	_ =	sdelay $0x1  }
0x1e: {  	s15 =	simm.s32 $0x1080  }
0x1f: {  	[tilespmem:s15], [sflag:$0x1] =	stream.indirect_vreg.gather [hbm4b:s4+s3], $0x80, v4, vm0, $0xb8;
	[tilespmem:$0x8080] =	vst v63  }
0x20: {  	s16 =	simm.s32 $0x1880  }
0x21: {  	[tilespmem:s16], [sflag:$0x1] =	stream.indirect_vreg.gather [hbm4b:s4+s3], $0x80, v0, vm0, $0xb8;
	[tilespmem:$0x8080] =	vst v63  }
0x22: {  	v0 =	vld [tilespmem:$0x20];
	_ =	sdelay $0x4  }
0x23: {  	v58 =	vshll.u32 v0, $0x1  }
0x24: {  	v0 =	vand.u32 $0x7, v0;
	v4 =	vand.u32 $0xFFFFFFF0, v58  }
0x25: {  	v0 =	vor.u32 v0, v4  }
0x26: {  	v4 =	vperm.xlane v0, v56;
	_ =	sdelay $0x1  }
0x27: {  	v0 =	vperm.xlane v0, v2;
	v4 =	vadd.s32 v3, v4;
	_ =	sdelay $0x1  }
0x28: {  	v0 =	vadd.s32 v3, v0;
	_ =	sdelay $0x1  }
0x29: {  	s17 =	simm.s32 $0x2080  }
0x2a: {  	[tilespmem:s17], [sflag:$0x1] =	stream.indirect_vreg.gather [hbm4b:s4+s3], $0x80, v4, vm0, $0xb8;
	[tilespmem:$0x8080] =	vst v63  }
0x2b: {  	s18 =	simm.s32 $0x2880  }
0x2c: {  	[tilespmem:s18], [sflag:$0x1] =	stream.indirect_vreg.gather [hbm4b:s4+s3], $0x80, v0, vm0, $0xb8;
	[tilespmem:$0x8080] =	vst v63  }
0x2d: {  	v0 =	vld [tilespmem:$0x30];
	_ =	sdelay $0x4  }
0x2e: {  	v59 =	vshll.u32 v0, $0x1  }
0x2f: {  	v0 =	vand.u32 $0x7, v0;
	v4 =	vand.u32 $0xFFFFFFF0, v59  }
0x30: {  	v0 =	vor.u32 v0, v4  }
0x31: {  	v4 =	vperm.xlane v0, v56;
	_ =	sdelay $0x1  }
0x32: {  	v0 =	vperm.xlane v0, v2;
	v4 =	vadd.s32 v3, v4;
	_ =	sdelay $0x1  }
0x33: {  	v0 =	vadd.s32 v3, v0;
	_ =	sdelay $0x1  }
0x34: {  	s19 =	simm.s32 $0x3080  }
0x35: {  	[tilespmem:s19], [sflag:$0x1] =	stream.indirect_vreg.gather [hbm4b:s4+s3], $0x80, v4, vm0, $0xb8;
	[tilespmem:$0x8080] =	vst v63  }
0x36: {  	s20 =	simm.s32 $0x3880  }
0x37: {  	[tilespmem:s20], [sflag:$0x1] =	stream.indirect_vreg.gather [hbm4b:s4+s3], $0x80, v0, vm0, $0xb8;
	[tilespmem:$0x8080] =	vst v63  }
0x38: {  	v0 =	vld [tilespmem:$0x40];
	_ =	sdelay $0x4  }
0x39: {  	v60 =	vshll.u32 v0, $0x1  }
0x3a: {  	v0 =	vand.u32 $0x7, v0;
	v4 =	vand.u32 $0xFFFFFFF0, v60  }
0x3b: {  	v0 =	vor.u32 v0, v4  }
0x3c: {  	v4 =	vperm.xlane v0, v56;
	_ =	sdelay $0x1  }
0x3d: {  	v0 =	vperm.xlane v0, v2;
	v4 =	vadd.s32 v3, v4;
	_ =	sdelay $0x1  }
0x3e: {  	v0 =	vadd.s32 v3, v0;
	_ =	sdelay $0x1  }
0x3f: {  	s21 =	simm.s32 $0x4080  }
0x40: {  	[tilespmem:s21], [sflag:$0x1] =	stream.indirect_vreg.gather [hbm4b:s4+s3], $0x80, v4, vm0, $0xb8;
	[tilespmem:$0x8080] =	vst v63  }
0x41: {  	s22 =	simm.s32 $0x4880  }
0x42: {  	[tilespmem:s22], [sflag:$0x1] =	stream.indirect_vreg.gather [hbm4b:s4+s3], $0x80, v0, vm0, $0xb8;
	[tilespmem:$0x8080] =	vst v63  }
0x43: {  	v0 =	vld [tilespmem:$0x50];
	_ =	sdelay $0x4  }
0x44: {  	v61 =	vshll.u32 v0, $0x1  }
0x45: {  	v0 =	vand.u32 $0x7, v0;
	v4 =	vand.u32 $0xFFFFFFF0, v61  }
0x46: {  	v0 =	vor.u32 v0, v4  }
0x47: {  	v4 =	vperm.xlane v0, v56;
	_ =	sdelay $0x1  }
0x48: {  	v0 =	vperm.xlane v0, v2;
	v4 =	vadd.s32 v3, v4;
	_ =	sdelay $0x1  }
0x49: {  	v0 =	vadd.s32 v3, v0;
	_ =	sdelay $0x1  }
0x4a: {  	s23 =	simm.s32 $0x5080  }
0x4b: {  	[tilespmem:s23], [sflag:$0x1] =	stream.indirect_vreg.gather [hbm4b:s4+s3], $0x80, v4, vm0, $0xb8;
	[tilespmem:$0x8080] =	vst v63  }
0x4c: {  	s24 =	simm.s32 $0x5880  }
0x4d: {  	[tilespmem:s24], [sflag:$0x1] =	stream.indirect_vreg.gather [hbm4b:s4+s3], $0x80, v0, vm0, $0xb8;
	[tilespmem:$0x8080] =	vst v63  }
0x4e: {  	v0 =	vld [tilespmem:$0x60];
	_ =	sdelay $0x4  }
0x4f: {  	v62 =	vshll.u32 v0, $0x1  }
0x50: {  	v0 =	vand.u32 $0x7, v0;
	v4 =	vand.u32 $0xFFFFFFF0, v62  }
0x51: {  	v0 =	vor.u32 v0, v4  }
0x52: {  	v4 =	vperm.xlane v0, v56;
	_ =	sdelay $0x1  }
0x53: {  	v0 =	vperm.xlane v0, v2;
	v4 =	vadd.s32 v3, v4;
	_ =	sdelay $0x1  }
0x54: {  	v0 =	vadd.s32 v3, v0;
	_ =	sdelay $0x1  }
0x55: {  	s25 =	simm.s32 $0x6080  }
0x56: {  	[tilespmem:s25], [sflag:$0x1] =	stream.indirect_vreg.gather [hbm4b:s4+s3], $0x80, v4, vm0, $0xb8;
	[tilespmem:$0x8080] =	vst v63  }
0x57: {  	s26 =	simm.s32 $0x6880  }
0x58: {  	[tilespmem:s26], [sflag:$0x1] =	stream.indirect_vreg.gather [hbm4b:s4+s3], $0x80, v0, vm0, $0xb8;
	[tilespmem:$0x8080] =	vst v63  }
0x59: {  	v0 =	vld [tilespmem:$0x70];
	_ =	sdelay $0x4  }
0x5a: {  	v63 =	vshll.u32 v0, $0x1  }
0x5b: {  	v0 =	vand.u32 $0x7, v0;
	v4 =	vand.u32 $0xFFFFFFF0, v63  }
0x5c: {  	v0 =	vor.u32 v0, v4  }
0x5d: {  	v1 =	vperm.xlane v0, v56;
	_ =	sdelay $0x1  }
0x5e: {  	v0 =	vperm.xlane v0, v2;
	v1 =	vadd.s32 v3, v1;
	_ =	sdelay $0x1  }
0x5f: {  	v0 =	vadd.s32 v3, v0;
	_ =	sdelay $0x1  }
0x60: {  	s28 =	simm.s32 $0x7080  }
0x61: {  	[tilespmem:s28], [sflag:$0x1] =	stream.indirect_vreg.gather [hbm4b:s4+s3], $0x80, v1, vm0, $0xb8;
	[tilespmem:$0x8080] =	vst v63  }
0x62: {  	s29 =	simm.s32 $0x7880;
	s30 =	simm.s32 $0x1  }
0x63: {  	[tilespmem:s29], [sflag:$0x1] =	stream.indirect_vreg.gather [hbm4b:s4+s3], $0x80, v0, vm0, $0xb8;
	[tilespmem:$0x8080] =	vst v63  }
0x64: {  	_ =	swait.ge [sflag:s30], $0x8000  }
0x65: {  	s31 =	sshll.u32 s1, $0xC;
	[sflag:s30] =	ssyncset.done $0x0  }
0x66: {  	s2 =	sadd.s32 s2, s31;
	[sflag:s30] =	ssyncadd.s32 $0xFFFF8000  }
0x67: {  	[hbm4b:s2+s3] =	stream.linear.scatter [tilespmem:s14], [sflag:$0x2], $0x8000, $0x38;
	[tilespmem:$0x8080] =	vst v63  }
0x68: {  	_ =	swait.ge [sflag:s13], $0x8000  }
0x69: {  	[sflag:s13] =	ssyncset.done $0x0  }
0x6a: {  	[sflag:s13] =	ssyncadd.s32 $0xFFFF8000  }
0x6b: {  	_ =	sfence.sel $0x180000  }
0x6c: {  	[bflag:$0x0] =	sbarrier.arrive $0xFFFF  }
0x6d: {  	p0 =	sne.s32 s1, $0x0;
	_ =	strace $0x90000047  }
0x6e: {  	s0 =	sadd.s32 @!p0 $0x100000, s0;
	[bflag:$0x2] =	sbarrier.arrive $0xFFFF  }
0x6f: {  	[sflag:s0] =	ssyncadd.tile.s32 @!p0 $0x1;
	_ =	shalt  }
.Lfunc_end2:
_tile_overlayer_lowered:
.L_overlay_start_2:
0x70: {  	(tag) =	ssettag $0x2  }
0x71: {  	s0 =	rddreg [dreg:$0x0];
	s2 =	stileid.u32  }
0x72: {  	s1 =	rddreg [dreg:$0x1];
	p0 =	sne.s32 s2, $0x0  }
0x73: {  	s3 =	rddreg [dreg:$0x2];
	[bflag:$0x3] =	sbarrier.arrive $0xFFFF;
	s2 =	simm.s32 @!p0 $0x1C02  }
0x74: {  	[timem:s3], [sflag:s2] =	dma.local @!p0 [hbm:s0], s1  }
0x75: {  	s0 =	simm.s32 @!p0 $0x2  }
0x76: {  	_ =	swait.ge @!p0 [sflag:s0], s1  }
0x77: {  	s1 =	ssub.s32 @!p0 $0x0, s1;
	[sflag:s0] =	ssyncset.done @!p0 $0x0  }
0x78: {  	[sflag:s0] =	ssyncadd.s32 @!p0 s1  }
0x79: {  	[bflag:$0x3] =	sbarrier.arrive $0xFFFF  }
0x7a: {  	_ =	shalt  }

</sc_bundles>
